<compile_context>
chip_gen: v7x
topology: tpu7x:2x2x1
jax: 0.10.2.dev20260603
libtpu: 0.0.44.dev20260713+nightly
codegen_flags: <defaults>
</compile_context>

<pallas_src>
import functools

import jax
import jax.numpy as jnp
import numpy as np
from jax import lax
from jax.experimental import pallas as pl
from jax.experimental.pallas import tpu as pltpu
from jax.experimental.pallas import tpu_sc as plsc

_N = 2097152
_NIDX = 262144
_EPS = 1e-07
_ONE_PLUS_EPS = float(np.float32(1.0) + np.float32(_EPS))

_NC = 2
_NS = 16
_HALF = _N // _NC
_DUMMY = _HALF
_IDXC = _NIDX // _NS
_SLICE = _HALF // _NS

_mesh = plsc.VectorSubcoreMesh(core_axis_name="c", subcore_axis_name="s")


@functools.partial(
    pl.kernel,
    mesh=_mesh,
    out_type=jax.ShapeDtypeStruct((_N,), jnp.float32),
    scratch_types=[
        pltpu.VMEM((_IDXC,), jnp.int32),
        pltpu.VMEM((_IDXC,), jnp.float32),
        pltpu.VMEM((_IDXC,), jnp.float32),
        pltpu.VMEM_SHARED((_HALF + 1024,), jnp.float32),
        pltpu.SemaphoreType.DMA,
        pltpu.SemaphoreType.DMA,
    ],
)
def _voxel_scatter(idx_hbm, out_hbm, idx_v, vals_v, eps_v, spmem, sem_a, sem_b):
    c = lax.axis_index("c")
    s = lax.axis_index("s")
    base = c * _HALF

    idx_load = pltpu.make_async_copy(
        idx_hbm.at[pl.ds(s * _IDXC, _IDXC)], idx_v, sem_a
    )
    idx_load.start()

    eps16 = jnp.full((16,), _EPS, jnp.float32)
    one16 = jnp.full((16,), _ONE_PLUS_EPS, jnp.float32)

    @pl.loop(0, _IDXC // 16, unroll=8)
    def _fill_eps(i):
        eps_v[pl.ds(i * 16, 16)] = eps16

    @pl.loop(0, _IDXC // 16, unroll=8)
    def _fill_vals(i):
        vals_v[pl.ds(i * 16, 16)] = one16

    inits = []
    for k in range(_SLICE // _IDXC):
        cp = pltpu.make_async_copy(
            eps_v, spmem.at[pl.ds(s * _SLICE + k * _IDXC, _IDXC)], sem_b
        )
        cp.start()
        inits.append(cp)

    idx_load.wait()
    dummy16 = _DUMMY + lax.iota(jnp.int32, 16)

    with jax.named_scope("rebase"):
        @pl.loop(0, _IDXC // 16, unroll=4)
        def _rebase(i):
            v = idx_v[pl.ds(i * 16, 16)]
            local = v - base
            m = (v >= base) & (local < _HALF)
            idx_v[pl.ds(i * 16, 16)] = jnp.where(
                m, local, dummy16 + (i & 63) * 16
            )

    with jax.named_scope("init_wait"):
        for cp in inits:
            cp.wait()
        plsc.subcore_barrier()

    with jax.named_scope("scatter"):
        pltpu.async_copy(vals_v, spmem.at[idx_v], sem_a).wait()
        plsc.subcore_barrier()

    with jax.named_scope("writeback"):
        pltpu.sync_copy(
            spmem.at[pl.ds(s * _SLICE, _SLICE)],
            out_hbm.at[pl.ds(base + s * _SLICE, _SLICE)],
        )


def kernel(voxel, fish_cell_indices, cell_indices):
    del voxel, cell_indices
    return _voxel_scatter(fish_cell_indices)

# --- scband reference (transcript-rebuilt; emitter-appended) ---
"""Pipeline reference for scband-voxel-to-element-binary-26345329394107 (READ-ONLY COPY).

The authoritative reference and input builder live on the scoring server;
editing this copy changes nothing except your own understanding.
"""

import jax, jax.numpy as jnp
import numpy as np

NUM_ELEMENTS = 2097152
EPS = 1e-07


def setup_inputs(seed: int = 0):
    key = jax.random.key(seed)
    k1, k2, k3 = jax.random.split(key, 3)
    voxel = jax.random.normal(k1, (128, 128, 128), dtype=jnp.float32)
    fish_cell_indices = jax.random.randint(k2, (262144,), 0, NUM_ELEMENTS, dtype=jnp.int32)
    cell_indices = jax.random.randint(k3, (128, 128, 128), 0, NUM_ELEMENTS, dtype=jnp.int32)
    return {"voxel": voxel, "fish_cell_indices": fish_cell_indices, "cell_indices": cell_indices}


def reference(voxel, fish_cell_indices, cell_indices):
    # voxel = voxel.clamp(0, 1)
    voxel = jnp.clip(voxel, 0.0, 1.0)
    # elements = voxel.new_zeros(num_elements); elements[k] = 1.0 for k in blob_to_fish_cell keys
    elements = jnp.zeros((NUM_ELEMENTS,), dtype=voxel.dtype)
    elements = elements.at[fish_cell_indices].set(1.0)
    # return elements + eps  (cell_indices only used in backward)
    return elements + EPS

if __name__ == "__main__":
    import jax
    _d = setup_inputs()
    print(jax.jit(kernel)(*tuple(_d.values())))

</pallas_src>

<mosaic_0001>
#map = affine_map<(d0, d1) -> (0)>
module attributes {stable_mosaic.version = 14 : i64} {
  func.func @_voxel_scatter(%arg0: i32, %arg1: i32, %arg2: memref<262144xi32, #tpu.memory_space<hbm>>, %arg3: memref<2097152xf32, #tpu.memory_space<hbm>>, %arg4: memref<16384xi32, #tpu.memory_space<vmem>>, %arg5: memref<16384xf32, #tpu.memory_space<vmem>>, %arg6: memref<16384xf32, #tpu.memory_space<vmem>>, %arg7: memref<1049600xf32, #tpu.memory_space<vmem_shared>>, %arg8: memref<!tpu.dma_semaphore, #tpu.memory_space<semaphore_mem>>, %arg9: memref<!tpu.dma_semaphore, #tpu.memory_space<semaphore_mem>>) attributes {dimension_semantics = [#tpu.dimension_semantics<core_parallel>, #tpu.dimension_semantics<subcore_parallel>], iteration_bounds = array<i64: 2, 16>, scalar_prefetch = 0 : i64, scratch_operands = 6 : i64, tpu.core_type = #tpu.core_type<sc_vector_subcore>, window_params = [{transform_indices = #map}, {transform_indices = #map}]} {
    %mul3A = arith.constant 1048576 : i32
    %mul3A_0 = arith.muli %arg0, %mul3A : i32
    %mul3A_1 = arith.constant 16384 : i32
    %mul3A_2 = arith.muli %arg1, %mul3A_1 : i32
    %dma_start3A = tpu.memref_slice %arg2[%mul3A_2] : memref<262144xi32, #tpu.memory_space<hbm>> -> memref<16384xi32, #tpu.memory_space<hbm>>
    %dma_start3A_3 = tpu.memref_slice %arg2[%mul3A_2] : memref<262144xi32, #tpu.memory_space<hbm>> -> memref<16384xi32, #tpu.memory_space<hbm>>
    tpu.enqueue_dma source(%dma_start3A_3 : memref<16384xi32, #tpu.memory_space<hbm>>) target(%arg4 : memref<16384xi32, #tpu.memory_space<vmem>>) target_semaphore(%arg8 : memref<!tpu.dma_semaphore, #tpu.memory_space<semaphore_mem>>)
    %broadcast_in_dim3A = arith.constant 1.000000e-07 : f32
    %broadcast_in_dim3A_4 = vector.broadcast %broadcast_in_dim3A : f32 to vector<16xf32>
    %broadcast_in_dim3A_5 = arith.constant 1.00000012 : f32
    %broadcast_in_dim3A_6 = vector.broadcast %broadcast_in_dim3A_5 : f32 to vector<16xf32>
    %scan3A = arith.constant 0 : i32
    %scan3A_7 = arith.constant 1024 : i32
    %scan3A_8 = arith.addi %scan3A, %scan3A_7 : i32
    %scan3A_9 = arith.constant 8 : i32
    scf.for %scan3A_66 = %scan3A to %scan3A_8 step %scan3A_9  : i32 {
      %mul3A_67 = arith.constant 1 : i32
      %mul3A_68 = arith.muli %scan3A_66, %mul3A_67 : i32
      %add3A_69 = arith.constant 0 : i32
      %add3A_70 = arith.addi %add3A_69, %mul3A_68 : i32
      %mul3A_71 = arith.constant 16 : i32
      %mul3A_72 = arith.muli %add3A_70, %mul3A_71 : i32
      %swap3A = arith.index_cast %mul3A_72 : i32 to index
      %swap3A_73 = tpu.vector_load %arg6[%swap3A] {strides = array<i32>} : memref<16384xf32, #tpu.memory_space<vmem>>, vector<16xf32>,
      %swap3A_74 = vector.shape_cast %swap3A_73 : vector<16xf32> to vector<16xf32>
      %swap3A_75 = vector.shape_cast %broadcast_in_dim3A_4 : vector<16xf32> to vector<16xf32>
      tpu.vector_store %arg6[%swap3A], %swap3A_75 {strides = array<i32>} : memref<16384xf32, #tpu.memory_space<vmem>>, vector<16xf32>,
      %scan3A_76 = arith.constant 1 : i32
      %scan3A_77 = arith.addi %scan3A_66, %scan3A_76 : i32
      %mul3A_78 = arith.constant 1 : i32
      %mul3A_79 = arith.muli %scan3A_77, %mul3A_78 : i32
      %add3A_80 = arith.constant 0 : i32
      %add3A_81 = arith.addi %add3A_80, %mul3A_79 : i32
      %mul3A_82 = arith.constant 16 : i32
      %mul3A_83 = arith.muli %add3A_81, %mul3A_82 : i32
      %swap3A_84 = arith.index_cast %mul3A_83 : i32 to index
      %swap3A_85 = tpu.vector_load %arg6[%swap3A_84] {strides = array<i32>} : memref<16384xf32, #tpu.memory_space<vmem>>, vector<16xf32>,
      %swap3A_86 = vector.shape_cast %swap3A_85 : vector<16xf32> to vector<16xf32>
      %swap3A_87 = vector.shape_cast %broadcast_in_dim3A_4 : vector<16xf32> to vector<16xf32>
      tpu.vector_store %arg6[%swap3A_84], %swap3A_87 {strides = array<i32>} : memref<16384xf32, #tpu.memory_space<vmem>>, vector<16xf32>,
      %scan3A_88 = arith.constant 2 : i32
      %scan3A_89 = arith.addi %scan3A_66, %scan3A_88 : i32
      %mul3A_90 = arith.constant 1 : i32
      %mul3A_91 = arith.muli %scan3A_89, %mul3A_90 : i32
      %add3A_92 = arith.constant 0 : i32
      %add3A_93 = arith.addi %add3A_92, %mul3A_91 : i32
      %mul3A_94 = arith.constant 16 : i32
      %mul3A_95 = arith.muli %add3A_93, %mul3A_94 : i32
      %swap3A_96 = arith.index_cast %mul3A_95 : i32 to index
      %swap3A_97 = tpu.vector_load %arg6[%swap3A_96] {strides = array<i32>} : memref<16384xf32, #tpu.memory_space<vmem>>, vector<16xf32>,
      %swap3A_98 = vector.shape_cast %swap3A_97 : vector<16xf32> to vector<16xf32>
      %swap3A_99 = vector.shape_cast %broadcast_in_dim3A_4 : vector<16xf32> to vector<16xf32>
      tpu.vector_store %arg6[%swap3A_96], %swap3A_99 {strides = array<i32>} : memref<16384xf32, #tpu.memory_space<vmem>>, vector<16xf32>,
      %scan3A_100 = arith.constant 3 : i32
      %scan3A_101 = arith.addi %scan3A_66, %scan3A_100 : i32
      %mul3A_102 = arith.constant 1 : i32
      %mul3A_103 = arith.muli %scan3A_101, %mul3A_102 : i32
      %add3A_104 = arith.constant 0 : i32
      %add3A_105 = arith.addi %add3A_104, %mul3A_103 : i32
      %mul3A_106 = arith.constant 16 : i32
      %mul3A_107 = arith.muli %add3A_105, %mul3A_106 : i32
      %swap3A_108 = arith.index_cast %mul3A_107 : i32 to index
      %swap3A_109 = tpu.vector_load %arg6[%swap3A_108] {strides = array<i32>} : memref<16384xf32, #tpu.memory_space<vmem>>, vector<16xf32>,
      %swap3A_110 = vector.shape_cast %swap3A_109 : vector<16xf32> to vector<16xf32>
      %swap3A_111 = vector.shape_cast %broadcast_in_dim3A_4 : vector<16xf32> to vector<16xf32>
      tpu.vector_store %arg6[%swap3A_108], %swap3A_111 {strides = array<i32>} : memref<16384xf32, #tpu.memory_space<vmem>>, vector<16xf32>,
      %scan3A_112 = arith.constant 4 : i32
      %scan3A_113 = arith.addi %scan3A_66, %scan3A_112 : i32
      %mul3A_114 = arith.constant 1 : i32
      %mul3A_115 = arith.muli %scan3A_113, %mul3A_114 : i32
      %add3A_116 = arith.constant 0 : i32
      %add3A_117 = arith.addi %add3A_116, %mul3A_115 : i32
      %mul3A_118 = arith.constant 16 : i32
      %mul3A_119 = arith.muli %add3A_117, %mul3A_118 : i32
      %swap3A_120 = arith.index_cast %mul3A_119 : i32 to index
      %swap3A_121 = tpu.vector_load %arg6[%swap3A_120] {strides = array<i32>} : memref<16384xf32, #tpu.memory_space<vmem>>, vector<16xf32>,
      %swap3A_122 = vector.shape_cast %swap3A_121 : vector<16xf32> to vector<16xf32>
      %swap3A_123 = vector.shape_cast %broadcast_in_dim3A_4 : vector<16xf32> to vector<16xf32>
      tpu.vector_store %arg6[%swap3A_120], %swap3A_123 {strides = array<i32>} : memref<16384xf32, #tpu.memory_space<vmem>>, vector<16xf32>,
      %scan3A_124 = arith.constant 5 : i32
      %scan3A_125 = arith.addi %scan3A_66, %scan3A_124 : i32
      %mul3A_126 = arith.constant 1 : i32
      %mul3A_127 = arith.muli %scan3A_125, %mul3A_126 : i32
      %add3A_128 = arith.constant 0 : i32
      %add3A_129 = arith.addi %add3A_128, %mul3A_127 : i32
      %mul3A_130 = arith.constant 16 : i32
      %mul3A_131 = arith.muli %add3A_129, %mul3A_130 : i32
      %swap3A_132 = arith.index_cast %mul3A_131 : i32 to index
      %swap3A_133 = tpu.vector_load %arg6[%swap3A_132] {strides = array<i32>} : memref<16384xf32, #tpu.memory_space<vmem>>, vector<16xf32>,
      %swap3A_134 = vector.shape_cast %swap3A_133 : vector<16xf32> to vector<16xf32>
      %swap3A_135 = vector.shape_cast %broadcast_in_dim3A_4 : vector<16xf32> to vector<16xf32>
      tpu.vector_store %arg6[%swap3A_132], %swap3A_135 {strides = array<i32>} : memref<16384xf32, #tpu.memory_space<vmem>>, vector<16xf32>,
      %scan3A_136 = arith.constant 6 : i32
      %scan3A_137 = arith.addi %scan3A_66, %scan3A_136 : i32
      %mul3A_138 = arith.constant 1 : i32
      %mul3A_139 = arith.muli %scan3A_137, %mul3A_138 : i32
      %add3A_140 = arith.constant 0 : i32
      %add3A_141 = arith.addi %add3A_140, %mul3A_139 : i32
      %mul3A_142 = arith.constant 16 : i32
      %mul3A_143 = arith.muli %add3A_141, %mul3A_142 : i32
      %swap3A_144 = arith.index_cast %mul3A_143 : i32 to index
      %swap3A_145 = tpu.vector_load %arg6[%swap3A_144] {strides = array<i32>} : memref<16384xf32, #tpu.memory_space<vmem>>, vector<16xf32>,
      %swap3A_146 = vector.shape_cast %swap3A_145 : vector<16xf32> to vector<16xf32>
      %swap3A_147 = vector.shape_cast %broadcast_in_dim3A_4 : vector<16xf32> to vector<16xf32>
      tpu.vector_store %arg6[%swap3A_144], %swap3A_147 {strides = array<i32>} : memref<16384xf32, #tpu.memory_space<vmem>>, vector<16xf32>,
      %scan3A_148 = arith.constant 7 : i32
      %scan3A_149 = arith.addi %scan3A_66, %scan3A_148 : i32
      %mul3A_150 = arith.constant 1 : i32
      %mul3A_151 = arith.muli %scan3A_149, %mul3A_150 : i32
      %add3A_152 = arith.constant 0 : i32
      %add3A_153 = arith.addi %add3A_152, %mul3A_151 : i32
      %mul3A_154 = arith.constant 16 : i32
      %mul3A_155 = arith.muli %add3A_153, %mul3A_154 : i32
      %swap3A_156 = arith.index_cast %mul3A_155 : i32 to index
      %swap3A_157 = tpu.vector_load %arg6[%swap3A_156] {strides = array<i32>} : memref<16384xf32, #tpu.memory_space<vmem>>, vector<16xf32>,
      %swap3A_158 = vector.shape_cast %swap3A_157 : vector<16xf32> to vector<16xf32>
      %swap3A_159 = vector.shape_cast %broadcast_in_dim3A_4 : vector<16xf32> to vector<16xf32>
      tpu.vector_store %arg6[%swap3A_156], %swap3A_159 {strides = array<i32>} : memref<16384xf32, #tpu.memory_space<vmem>>, vector<16xf32>,
    }
    %scan3A_10 = arith.constant 1024 : i32
    %scan3A_11 = arith.constant 0 : i32
    %scan3A_12 = arith.constant 1024 : i32
    %scan3A_13 = arith.addi %scan3A_11, %scan3A_12 : i32
    %scan3A_14 = arith.constant 8 : i32
    scf.for %scan3A_66 = %scan3A_11 to %scan3A_13 step %scan3A_14  : i32 {
      %mul3A_67 = arith.constant 1 : i32
      %mul3A_68 = arith.muli %scan3A_66, %mul3A_67 : i32
      %add3A_69 = arith.constant 0 : i32
      %add3A_70 = arith.addi %add3A_69, %mul3A_68 : i32
      %mul3A_71 = arith.constant 16 : i32
      %mul3A_72 = arith.muli %add3A_70, %mul3A_71 : i32
      %swap3A = arith.index_cast %mul3A_72 : i32 to index
      %swap3A_73 = tpu.vector_load %arg5[%swap3A] {strides = array<i32>} : memref<16384xf32, #tpu.memory_space<vmem>>, vector<16xf32>,
      %swap3A_74 = vector.shape_cast %swap3A_73 : vector<16xf32> to vector<16xf32>
      %swap3A_75 = vector.shape_cast %broadcast_in_dim3A_6 : vector<16xf32> to vector<16xf32>
      tpu.vector_store %arg5[%swap3A], %swap3A_75 {strides = array<i32>} : memref<16384xf32, #tpu.memory_space<vmem>>, vector<16xf32>,
      %scan3A_76 = arith.constant 1 : i32
      %scan3A_77 = arith.addi %scan3A_66, %scan3A_76 : i32
      %mul3A_78 = arith.constant 1 : i32
      %mul3A_79 = arith.muli %scan3A_77, %mul3A_78 : i32
      %add3A_80 = arith.constant 0 : i32
      %add3A_81 = arith.addi %add3A_80, %mul3A_79 : i32
      %mul3A_82 = arith.constant 16 : i32
      %mul3A_83 = arith.muli %add3A_81, %mul3A_82 : i32
      %swap3A_84 = arith.index_cast %mul3A_83 : i32 to index
      %swap3A_85 = tpu.vector_load %arg5[%swap3A_84] {strides = array<i32>} : memref<16384xf32, #tpu.memory_space<vmem>>, vector<16xf32>,
      %swap3A_86 = vector.shape_cast %swap3A_85 : vector<16xf32> to vector<16xf32>
      %swap3A_87 = vector.shape_cast %broadcast_in_dim3A_6 : vector<16xf32> to vector<16xf32>
      tpu.vector_store %arg5[%swap3A_84], %swap3A_87 {strides = array<i32>} : memref<16384xf32, #tpu.memory_space<vmem>>, vector<16xf32>,
      %scan3A_88 = arith.constant 2 : i32
      %scan3A_89 = arith.addi %scan3A_66, %scan3A_88 : i32
      %mul3A_90 = arith.constant 1 : i32
      %mul3A_91 = arith.muli %scan3A_89, %mul3A_90 : i32
      %add3A_92 = arith.constant 0 : i32
      %add3A_93 = arith.addi %add3A_92, %mul3A_91 : i32
      %mul3A_94 = arith.constant 16 : i32
      %mul3A_95 = arith.muli %add3A_93, %mul3A_94 : i32
      %swap3A_96 = arith.index_cast %mul3A_95 : i32 to index
      %swap3A_97 = tpu.vector_load %arg5[%swap3A_96] {strides = array<i32>} : memref<16384xf32, #tpu.memory_space<vmem>>, vector<16xf32>,
      %swap3A_98 = vector.shape_cast %swap3A_97 : vector<16xf32> to vector<16xf32>
      %swap3A_99 = vector.shape_cast %broadcast_in_dim3A_6 : vector<16xf32> to vector<16xf32>
      tpu.vector_store %arg5[%swap3A_96], %swap3A_99 {strides = array<i32>} : memref<16384xf32, #tpu.memory_space<vmem>>, vector<16xf32>,
      %scan3A_100 = arith.constant 3 : i32
      %scan3A_101 = arith.addi %scan3A_66, %scan3A_100 : i32
      %mul3A_102 = arith.constant 1 : i32
      %mul3A_103 = arith.muli %scan3A_101, %mul3A_102 : i32
      %add3A_104 = arith.constant 0 : i32
      %add3A_105 = arith.addi %add3A_104, %mul3A_103 : i32
      %mul3A_106 = arith.constant 16 : i32
      %mul3A_107 = arith.muli %add3A_105, %mul3A_106 : i32
      %swap3A_108 = arith.index_cast %mul3A_107 : i32 to index
      %swap3A_109 = tpu.vector_load %arg5[%swap3A_108] {strides = array<i32>} : memref<16384xf32, #tpu.memory_space<vmem>>, vector<16xf32>,
      %swap3A_110 = vector.shape_cast %swap3A_109 : vector<16xf32> to vector<16xf32>
      %swap3A_111 = vector.shape_cast %broadcast_in_dim3A_6 : vector<16xf32> to vector<16xf32>
      tpu.vector_store %arg5[%swap3A_108], %swap3A_111 {strides = array<i32>} : memref<16384xf32, #tpu.memory_space<vmem>>, vector<16xf32>,
      %scan3A_112 = arith.constant 4 : i32
      %scan3A_113 = arith.addi %scan3A_66, %scan3A_112 : i32
      %mul3A_114 = arith.constant 1 : i32
      %mul3A_115 = arith.muli %scan3A_113, %mul3A_114 : i32
      %add3A_116 = arith.constant 0 : i32
      %add3A_117 = arith.addi %add3A_116, %mul3A_115 : i32
      %mul3A_118 = arith.constant 16 : i32
      %mul3A_119 = arith.muli %add3A_117, %mul3A_118 : i32
      %swap3A_120 = arith.index_cast %mul3A_119 : i32 to index
      %swap3A_121 = tpu.vector_load %arg5[%swap3A_120] {strides = array<i32>} : memref<16384xf32, #tpu.memory_space<vmem>>, vector<16xf32>,
      %swap3A_122 = vector.shape_cast %swap3A_121 : vector<16xf32> to vector<16xf32>
      %swap3A_123 = vector.shape_cast %broadcast_in_dim3A_6 : vector<16xf32> to vector<16xf32>
      tpu.vector_store %arg5[%swap3A_120], %swap3A_123 {strides = array<i32>} : memref<16384xf32, #tpu.memory_space<vmem>>, vector<16xf32>,
      %scan3A_124 = arith.constant 5 : i32
      %scan3A_125 = arith.addi %scan3A_66, %scan3A_124 : i32
      %mul3A_126 = arith.constant 1 : i32
      %mul3A_127 = arith.muli %scan3A_125, %mul3A_126 : i32
      %add3A_128 = arith.constant 0 : i32
      %add3A_129 = arith.addi %add3A_128, %mul3A_127 : i32
      %mul3A_130 = arith.constant 16 : i32
      %mul3A_131 = arith.muli %add3A_129, %mul3A_130 : i32
      %swap3A_132 = arith.index_cast %mul3A_131 : i32 to index
      %swap3A_133 = tpu.vector_load %arg5[%swap3A_132] {strides = array<i32>} : memref<16384xf32, #tpu.memory_space<vmem>>, vector<16xf32>,
      %swap3A_134 = vector.shape_cast %swap3A_133 : vector<16xf32> to vector<16xf32>
      %swap3A_135 = vector.shape_cast %broadcast_in_dim3A_6 : vector<16xf32> to vector<16xf32>
      tpu.vector_store %arg5[%swap3A_132], %swap3A_135 {strides = array<i32>} : memref<16384xf32, #tpu.memory_space<vmem>>, vector<16xf32>,
      %scan3A_136 = arith.constant 6 : i32
      %scan3A_137 = arith.addi %scan3A_66, %scan3A_136 : i32
      %mul3A_138 = arith.constant 1 : i32
      %mul3A_139 = arith.muli %scan3A_137, %mul3A_138 : i32
      %add3A_140 = arith.constant 0 : i32
      %add3A_141 = arith.addi %add3A_140, %mul3A_139 : i32
      %mul3A_142 = arith.constant 16 : i32
      %mul3A_143 = arith.muli %add3A_141, %mul3A_142 : i32
      %swap3A_144 = arith.index_cast %mul3A_143 : i32 to index
      %swap3A_145 = tpu.vector_load %arg5[%swap3A_144] {strides = array<i32>} : memref<16384xf32, #tpu.memory_space<vmem>>, vector<16xf32>,
      %swap3A_146 = vector.shape_cast %swap3A_145 : vector<16xf32> to vector<16xf32>
      %swap3A_147 = vector.shape_cast %broadcast_in_dim3A_6 : vector<16xf32> to vector<16xf32>
      tpu.vector_store %arg5[%swap3A_144], %swap3A_147 {strides = array<i32>} : memref<16384xf32, #tpu.memory_space<vmem>>, vector<16xf32>,
      %scan3A_148 = arith.constant 7 : i32
      %scan3A_149 = arith.addi %scan3A_66, %scan3A_148 : i32
      %mul3A_150 = arith.constant 1 : i32
      %mul3A_151 = arith.muli %scan3A_149, %mul3A_150 : i32
      %add3A_152 = arith.constant 0 : i32
      %add3A_153 = arith.addi %add3A_152, %mul3A_151 : i32
      %mul3A_154 = arith.constant 16 : i32
      %mul3A_155 = arith.muli %add3A_153, %mul3A_154 : i32
      %swap3A_156 = arith.index_cast %mul3A_155 : i32 to index
      %swap3A_157 = tpu.vector_load %arg5[%swap3A_156] {strides = array<i32>} : memref<16384xf32, #tpu.memory_space<vmem>>, vector<16xf32>,
      %swap3A_158 = vector.shape_cast %swap3A_157 : vector<16xf32> to vector<16xf32>
      %swap3A_159 = vector.shape_cast %broadcast_in_dim3A_6 : vector<16xf32> to vector<16xf32>
      tpu.vector_store %arg5[%swap3A_156], %swap3A_159 {strides = array<i32>} : memref<16384xf32, #tpu.memory_space<vmem>>, vector<16xf32>,
    }
    %scan3A_15 = arith.constant 1024 : i32
    %mul3A_16 = arith.constant 65536 : i32
    %mul3A_17 = arith.muli %arg1, %mul3A_16 : i32
    %add3A = arith.constant 0 : i32
    %add3A_18 = arith.addi %mul3A_17, %add3A : i32
    %dma_start3A_19 = tpu.memref_slice %arg7[%add3A_18] : memref<1049600xf32, #tpu.memory_space<vmem_shared>> -> memref<16384xf32, #tpu.memory_space<vmem_shared>>
    %dma_start3A_20 = tpu.memref_slice %arg7[%add3A_18] : memref<1049600xf32, #tpu.memory_space<vmem_shared>> -> memref<16384xf32, #tpu.memory_space<vmem_shared>>
    tpu.enqueue_dma source(%arg6 : memref<16384xf32, #tpu.memory_space<vmem>>) target(%dma_start3A_20 : memref<16384xf32, #tpu.memory_space<vmem_shared>>) target_semaphore(%arg9 : memref<!tpu.dma_semaphore, #tpu.memory_space<semaphore_mem>>)
    %mul3A_21 = arith.constant 65536 : i32
    %mul3A_22 = arith.muli %arg1, %mul3A_21 : i32
    %add3A_23 = arith.constant 16384 : i32
    %add3A_24 = arith.addi %mul3A_22, %add3A_23 : i32
    %dma_start3A_25 = tpu.memref_slice %arg7[%add3A_24] : memref<1049600xf32, #tpu.memory_space<vmem_shared>> -> memref<16384xf32, #tpu.memory_space<vmem_shared>>
    %dma_start3A_26 = tpu.memref_slice %arg7[%add3A_24] : memref<1049600xf32, #tpu.memory_space<vmem_shared>> -> memref<16384xf32, #tpu.memory_space<vmem_shared>>
    tpu.enqueue_dma source(%arg6 : memref<16384xf32, #tpu.memory_space<vmem>>) target(%dma_start3A_26 : memref<16384xf32, #tpu.memory_space<vmem_shared>>) target_semaphore(%arg9 : memref<!tpu.dma_semaphore, #tpu.memory_space<semaphore_mem>>)
    %mul3A_27 = arith.constant 65536 : i32
    %mul3A_28 = arith.muli %arg1, %mul3A_27 : i32
    %add3A_29 = arith.constant 32768 : i32
    %add3A_30 = arith.addi %mul3A_28, %add3A_29 : i32
    %dma_start3A_31 = tpu.memref_slice %arg7[%add3A_30] : memref<1049600xf32, #tpu.memory_space<vmem_shared>> -> memref<16384xf32, #tpu.memory_space<vmem_shared>>
    %dma_start3A_32 = tpu.memref_slice %arg7[%add3A_30] : memref<1049600xf32, #tpu.memory_space<vmem_shared>> -> memref<16384xf32, #tpu.memory_space<vmem_shared>>
    tpu.enqueue_dma source(%arg6 : memref<16384xf32, #tpu.memory_space<vmem>>) target(%dma_start3A_32 : memref<16384xf32, #tpu.memory_space<vmem_shared>>) target_semaphore(%arg9 : memref<!tpu.dma_semaphore, #tpu.memory_space<semaphore_mem>>)
    %mul3A_33 = arith.constant 65536 : i32
    %mul3A_34 = arith.muli %arg1, %mul3A_33 : i32
    %add3A_35 = arith.constant 49152 : i32
    %add3A_36 = arith.addi %mul3A_34, %add3A_35 : i32
    %dma_start3A_37 = tpu.memref_slice %arg7[%add3A_36] : memref<1049600xf32, #tpu.memory_space<vmem_shared>> -> memref<16384xf32, #tpu.memory_space<vmem_shared>>
    %dma_start3A_38 = tpu.memref_slice %arg7[%add3A_36] : memref<1049600xf32, #tpu.memory_space<vmem_shared>> -> memref<16384xf32, #tpu.memory_space<vmem_shared>>
    tpu.enqueue_dma source(%arg6 : memref<16384xf32, #tpu.memory_space<vmem>>) target(%dma_start3A_38 : memref<16384xf32, #tpu.memory_space<vmem_shared>>) target_semaphore(%arg9 : memref<!tpu.dma_semaphore, #tpu.memory_space<semaphore_mem>>)
    %dma_wait3A = tpu.memref_slice %arg2[%mul3A_2] : memref<262144xi32, #tpu.memory_space<hbm>> -> memref<16384xi32, #tpu.memory_space<hbm>>
    %dma_wait3A_39 = tpu.memref_slice %arg2[%mul3A_2] : memref<262144xi32, #tpu.memory_space<hbm>> -> memref<16384xi32, #tpu.memory_space<hbm>>
    tpu.wait_dma2 semaphore(%arg8 : memref<!tpu.dma_semaphore, #tpu.memory_space<semaphore_mem>>) src(%dma_wait3A_39 : memref<16384xi32, #tpu.memory_space<hbm>>) dst(%arg4 : memref<16384xi32, #tpu.memory_space<vmem>>)
    %iota3A = tpu.iota {dimensions = array<i32: 0>} : vector<16xi32>
    %add3A_40 = arith.constant 1048576 : i32
    %add3A_41 = vector.broadcast %add3A_40 : i32 to vector<16xi32>
    %add3A_42 = arith.addi %add3A_41, %iota3A : vector<16xi32>
    "tpu.trace_start"() <{level = 10 : i32, message = "rebase"}> : () -> ()
    %scan3A_43 = arith.constant 0 : i32
    %scan3A_44 = arith.constant 1024 : i32
    %scan3A_45 = arith.addi %scan3A_43, %scan3A_44 : i32
    %scan3A_46 = arith.constant 4 : i32
    scf.for %scan3A_66 = %scan3A_43 to %scan3A_45 step %scan3A_46  : i32 {
      %mul3A_67 = arith.constant 1 : i32
      %mul3A_68 = arith.muli %scan3A_66, %mul3A_67 : i32
      %add3A_69 = arith.constant 0 : i32
      %add3A_70 = arith.addi %add3A_69, %mul3A_68 : i32
      %mul3A_71 = arith.constant 16 : i32
      %mul3A_72 = arith.muli %add3A_70, %mul3A_71 : i32
      %get3A = arith.index_cast %mul3A_72 : i32 to index
      %get3A_73 = tpu.vector_load %arg4[%get3A] {strides = array<i32>} : memref<16384xi32, #tpu.memory_space<vmem>>, vector<16xi32>,
      %get3A_74 = vector.shape_cast %get3A_73 : vector<16xi32> to vector<16xi32>
      %sub3A = vector.broadcast %mul3A_0 : i32 to vector<16xi32>
      %sub3A_75 = arith.subi %get3A_74, %sub3A : vector<16xi32>
      %ge3A = vector.broadcast %mul3A_0 : i32 to vector<16xi32>
      %ge3A_76 = arith.cmpi sge, %get3A_74, %ge3A : vector<16xi32>
      %lt3A = arith.constant 1048576 : i32
      %lt3A_77 = vector.broadcast %lt3A : i32 to vector<16xi32>
      %lt3A_78 = arith.cmpi slt, %sub3A_75, %lt3A_77 : vector<16xi32>
      %and3A = arith.andi %ge3A_76, %lt3A_78 : vector<16xi1>
      %and3A_79 = arith.constant 63 : i32
      %and3A_80 = arith.andi %add3A_70, %and3A_79 : i32
      %mul3A_81 = arith.constant 16 : i32
      %mul3A_82 = arith.muli %and3A_80, %mul3A_81 : i32
      %add3A_83 = vector.broadcast %mul3A_82 : i32 to vector<16xi32>
      %add3A_84 = arith.addi %add3A_42, %add3A_83 : vector<16xi32>
      %select_n3A = arith.select %and3A, %sub3A_75, %add3A_84 : vector<16xi1>, vector<16xi32>
      %mul3A_85 = arith.constant 16 : i32
      %mul3A_86 = arith.muli %add3A_70, %mul3A_85 : i32
      %swap3A = arith.index_cast %mul3A_86 : i32 to index
      %swap3A_87 = tpu.vector_load %arg4[%swap3A] {strides = array<i32>} : memref<16384xi32, #tpu.memory_space<vmem>>, vector<16xi32>,
      %swap3A_88 = vector.shape_cast %swap3A_87 : vector<16xi32> to vector<16xi32>
      %swap3A_89 = vector.shape_cast %select_n3A : vector<16xi32> to vector<16xi32>
      tpu.vector_store %arg4[%swap3A], %swap3A_89 {strides = array<i32>} : memref<16384xi32, #tpu.memory_space<vmem>>, vector<16xi32>,
      %scan3A_90 = arith.constant 1 : i32
      %scan3A_91 = arith.addi %scan3A_66, %scan3A_90 : i32
      %mul3A_92 = arith.constant 1 : i32
      %mul3A_93 = arith.muli %scan3A_91, %mul3A_92 : i32
      %add3A_94 = arith.constant 0 : i32
      %add3A_95 = arith.addi %add3A_94, %mul3A_93 : i32
      %mul3A_96 = arith.constant 16 : i32
      %mul3A_97 = arith.muli %add3A_95, %mul3A_96 : i32
      %get3A_98 = arith.index_cast %mul3A_97 : i32 to index
      %get3A_99 = tpu.vector_load %arg4[%get3A_98] {strides = array<i32>} : memref<16384xi32, #tpu.memory_space<vmem>>, vector<16xi32>,
      %get3A_100 = vector.shape_cast %get3A_99 : vector<16xi32> to vector<16xi32>
      %sub3A_101 = vector.broadcast %mul3A_0 : i32 to vector<16xi32>
      %sub3A_102 = arith.subi %get3A_100, %sub3A_101 : vector<16xi32>
      %ge3A_103 = vector.broadcast %mul3A_0 : i32 to vector<16xi32>
      %ge3A_104 = arith.cmpi sge, %get3A_100, %ge3A_103 : vector<16xi32>
      %lt3A_105 = arith.constant 1048576 : i32
      %lt3A_106 = vector.broadcast %lt3A_105 : i32 to vector<16xi32>
      %lt3A_107 = arith.cmpi slt, %sub3A_102, %lt3A_106 : vector<16xi32>
      %and3A_108 = arith.andi %ge3A_104, %lt3A_107 : vector<16xi1>
      %and3A_109 = arith.constant 63 : i32
      %and3A_110 = arith.andi %add3A_95, %and3A_109 : i32
      %mul3A_111 = arith.constant 16 : i32
      %mul3A_112 = arith.muli %and3A_110, %mul3A_111 : i32
      %add3A_113 = vector.broadcast %mul3A_112 : i32 to vector<16xi32>
      %add3A_114 = arith.addi %add3A_42, %add3A_113 : vector<16xi32>
      %select_n3A_115 = arith.select %and3A_108, %sub3A_102, %add3A_114 : vector<16xi1>, vector<16xi32>
      %mul3A_116 = arith.constant 16 : i32
      %mul3A_117 = arith.muli %add3A_95, %mul3A_116 : i32
      %swap3A_118 = arith.index_cast %mul3A_117 : i32 to index
      %swap3A_119 = tpu.vector_load %arg4[%swap3A_118] {strides = array<i32>} : memref<16384xi32, #tpu.memory_space<vmem>>, vector<16xi32>,
      %swap3A_120 = vector.shape_cast %swap3A_119 : vector<16xi32> to vector<16xi32>
      %swap3A_121 = vector.shape_cast %select_n3A_115 : vector<16xi32> to vector<16xi32>
      tpu.vector_store %arg4[%swap3A_118], %swap3A_121 {strides = array<i32>} : memref<16384xi32, #tpu.memory_space<vmem>>, vector<16xi32>,
      %scan3A_122 = arith.constant 2 : i32
      %scan3A_123 = arith.addi %scan3A_66, %scan3A_122 : i32
      %mul3A_124 = arith.constant 1 : i32
      %mul3A_125 = arith.muli %scan3A_123, %mul3A_124 : i32
      %add3A_126 = arith.constant 0 : i32
      %add3A_127 = arith.addi %add3A_126, %mul3A_125 : i32
      %mul3A_128 = arith.constant 16 : i32
      %mul3A_129 = arith.muli %add3A_127, %mul3A_128 : i32
      %get3A_130 = arith.index_cast %mul3A_129 : i32 to index
      %get3A_131 = tpu.vector_load %arg4[%get3A_130] {strides = array<i32>} : memref<16384xi32, #tpu.memory_space<vmem>>, vector<16xi32>,
      %get3A_132 = vector.shape_cast %get3A_131 : vector<16xi32> to vector<16xi32>
      %sub3A_133 = vector.broadcast %mul3A_0 : i32 to vector<16xi32>
      %sub3A_134 = arith.subi %get3A_132, %sub3A_133 : vector<16xi32>
      %ge3A_135 = vector.broadcast %mul3A_0 : i32 to vector<16xi32>
      %ge3A_136 = arith.cmpi sge, %get3A_132, %ge3A_135 : vector<16xi32>
      %lt3A_137 = arith.constant 1048576 : i32
      %lt3A_138 = vector.broadcast %lt3A_137 : i32 to vector<16xi32>
      %lt3A_139 = arith.cmpi slt, %sub3A_134, %lt3A_138 : vector<16xi32>
      %and3A_140 = arith.andi %ge3A_136, %lt3A_139 : vector<16xi1>
      %and3A_141 = arith.constant 63 : i32
      %and3A_142 = arith.andi %add3A_127, %and3A_141 : i32
      %mul3A_143 = arith.constant 16 : i32
      %mul3A_144 = arith.muli %and3A_142, %mul3A_143 : i32
      %add3A_145 = vector.broadcast %mul3A_144 : i32 to vector<16xi32>
      %add3A_146 = arith.addi %add3A_42, %add3A_145 : vector<16xi32>
      %select_n3A_147 = arith.select %and3A_140, %sub3A_134, %add3A_146 : vector<16xi1>, vector<16xi32>
      %mul3A_148 = arith.constant 16 : i32
      %mul3A_149 = arith.muli %add3A_127, %mul3A_148 : i32
      %swap3A_150 = arith.index_cast %mul3A_149 : i32 to index
      %swap3A_151 = tpu.vector_load %arg4[%swap3A_150] {strides = array<i32>} : memref<16384xi32, #tpu.memory_space<vmem>>, vector<16xi32>,
      %swap3A_152 = vector.shape_cast %swap3A_151 : vector<16xi32> to vector<16xi32>
      %swap3A_153 = vector.shape_cast %select_n3A_147 : vector<16xi32> to vector<16xi32>
      tpu.vector_store %arg4[%swap3A_150], %swap3A_153 {strides = array<i32>} : memref<16384xi32, #tpu.memory_space<vmem>>, vector<16xi32>,
      %scan3A_154 = arith.constant 3 : i32
      %scan3A_155 = arith.addi %scan3A_66, %scan3A_154 : i32
      %mul3A_156 = arith.constant 1 : i32
      %mul3A_157 = arith.muli %scan3A_155, %mul3A_156 : i32
      %add3A_158 = arith.constant 0 : i32
      %add3A_159 = arith.addi %add3A_158, %mul3A_157 : i32
      %mul3A_160 = arith.constant 16 : i32
      %mul3A_161 = arith.muli %add3A_159, %mul3A_160 : i32
      %get3A_162 = arith.index_cast %mul3A_161 : i32 to index
      %get3A_163 = tpu.vector_load %arg4[%get3A_162] {strides = array<i32>} : memref<16384xi32, #tpu.memory_space<vmem>>, vector<16xi32>,
      %get3A_164 = vector.shape_cast %get3A_163 : vector<16xi32> to vector<16xi32>
      %sub3A_165 = vector.broadcast %mul3A_0 : i32 to vector<16xi32>
      %sub3A_166 = arith.subi %get3A_164, %sub3A_165 : vector<16xi32>
      %ge3A_167 = vector.broadcast %mul3A_0 : i32 to vector<16xi32>
      %ge3A_168 = arith.cmpi sge, %get3A_164, %ge3A_167 : vector<16xi32>
      %lt3A_169 = arith.constant 1048576 : i32
      %lt3A_170 = vector.broadcast %lt3A_169 : i32 to vector<16xi32>
      %lt3A_171 = arith.cmpi slt, %sub3A_166, %lt3A_170 : vector<16xi32>
      %and3A_172 = arith.andi %ge3A_168, %lt3A_171 : vector<16xi1>
      %and3A_173 = arith.constant 63 : i32
      %and3A_174 = arith.andi %add3A_159, %and3A_173 : i32
      %mul3A_175 = arith.constant 16 : i32
      %mul3A_176 = arith.muli %and3A_174, %mul3A_175 : i32
      %add3A_177 = vector.broadcast %mul3A_176 : i32 to vector<16xi32>
      %add3A_178 = arith.addi %add3A_42, %add3A_177 : vector<16xi32>
      %select_n3A_179 = arith.select %and3A_172, %sub3A_166, %add3A_178 : vector<16xi1>, vector<16xi32>
      %mul3A_180 = arith.constant 16 : i32
      %mul3A_181 = arith.muli %add3A_159, %mul3A_180 : i32
      %swap3A_182 = arith.index_cast %mul3A_181 : i32 to index
      %swap3A_183 = tpu.vector_load %arg4[%swap3A_182] {strides = array<i32>} : memref<16384xi32, #tpu.memory_space<vmem>>, vector<16xi32>,
      %swap3A_184 = vector.shape_cast %swap3A_183 : vector<16xi32> to vector<16xi32>
      %swap3A_185 = vector.shape_cast %select_n3A_179 : vector<16xi32> to vector<16xi32>
      tpu.vector_store %arg4[%swap3A_182], %swap3A_185 {strides = array<i32>} : memref<16384xi32, #tpu.memory_space<vmem>>, vector<16xi32>,
    }
    %scan3A_47 = arith.constant 1024 : i32
    "tpu.trace_stop"() : () -> ()
    "tpu.trace_start"() <{level = 10 : i32, message = "init_wait"}> : () -> ()
    %dma_wait3A_48 = tpu.memref_slice %arg7[%add3A_18] : memref<1049600xf32, #tpu.memory_space<vmem_shared>> -> memref<16384xf32, #tpu.memory_space<vmem_shared>>
    %dma_wait3A_49 = tpu.memref_slice %arg7[%add3A_18] : memref<1049600xf32, #tpu.memory_space<vmem_shared>> -> memref<16384xf32, #tpu.memory_space<vmem_shared>>
    tpu.wait_dma2 semaphore(%arg9 : memref<!tpu.dma_semaphore, #tpu.memory_space<semaphore_mem>>) src(%arg6 : memref<16384xf32, #tpu.memory_space<vmem>>) dst(%dma_wait3A_49 : memref<16384xf32, #tpu.memory_space<vmem_shared>>)
    %dma_wait3A_50 = tpu.memref_slice %arg7[%add3A_24] : memref<1049600xf32, #tpu.memory_space<vmem_shared>> -> memref<16384xf32, #tpu.memory_space<vmem_shared>>
    %dma_wait3A_51 = tpu.memref_slice %arg7[%add3A_24] : memref<1049600xf32, #tpu.memory_space<vmem_shared>> -> memref<16384xf32, #tpu.memory_space<vmem_shared>>
    tpu.wait_dma2 semaphore(%arg9 : memref<!tpu.dma_semaphore, #tpu.memory_space<semaphore_mem>>) src(%arg6 : memref<16384xf32, #tpu.memory_space<vmem>>) dst(%dma_wait3A_51 : memref<16384xf32, #tpu.memory_space<vmem_shared>>)
    %dma_wait3A_52 = tpu.memref_slice %arg7[%add3A_30] : memref<1049600xf32, #tpu.memory_space<vmem_shared>> -> memref<16384xf32, #tpu.memory_space<vmem_shared>>
    %dma_wait3A_53 = tpu.memref_slice %arg7[%add3A_30] : memref<1049600xf32, #tpu.memory_space<vmem_shared>> -> memref<16384xf32, #tpu.memory_space<vmem_shared>>
    tpu.wait_dma2 semaphore(%arg9 : memref<!tpu.dma_semaphore, #tpu.memory_space<semaphore_mem>>) src(%arg6 : memref<16384xf32, #tpu.memory_space<vmem>>) dst(%dma_wait3A_53 : memref<16384xf32, #tpu.memory_space<vmem_shared>>)
    %dma_wait3A_54 = tpu.memref_slice %arg7[%add3A_36] : memref<1049600xf32, #tpu.memory_space<vmem_shared>> -> memref<16384xf32, #tpu.memory_space<vmem_shared>>
    %dma_wait3A_55 = tpu.memref_slice %arg7[%add3A_36] : memref<1049600xf32, #tpu.memory_space<vmem_shared>> -> memref<16384xf32, #tpu.memory_space<vmem_shared>>
    tpu.wait_dma2 semaphore(%arg9 : memref<!tpu.dma_semaphore, #tpu.memory_space<semaphore_mem>>) src(%arg6 : memref<16384xf32, #tpu.memory_space<vmem>>) dst(%dma_wait3A_55 : memref<16384xf32, #tpu.memory_space<vmem_shared>>)
    %barrier3A = arith.constant 0 : index
    tpu.barrier barrier_id(%barrier3A)
    "tpu.trace_stop"() : () -> ()
    "tpu.trace_start"() <{level = 10 : i32, message = "scatter"}> : () -> ()
    %dma_start3A_56 = arith.constant 0 : i32
    %dma_start3A_57 = tpu.memref_slice %arg7[%dma_start3A_56] : memref<1049600xf32, #tpu.memory_space<vmem_shared>> -> memref<1049600xf32, #tpu.memory_space<vmem_shared>>
    tpu.enqueue_indirect_dma source(%arg5 : memref<16384xf32, #tpu.memory_space<vmem>>) target(%dma_start3A_57 : memref<1049600xf32, #tpu.memory_space<vmem_shared>>) offsets(%arg4 : memref<16384xi32, #tpu.memory_space<vmem>>) semaphore(%arg8 : memref<!tpu.dma_semaphore, #tpu.memory_space<semaphore_mem>>)
    %dma_wait3A_58 = arith.constant 0 : i32
    %dma_wait3A_59 = tpu.memref_slice %arg7[%dma_wait3A_58] : memref<1049600xf32, #tpu.memory_space<vmem_shared>> -> memref<1049600xf32, #tpu.memory_space<vmem_shared>>
    tpu.wait_indirect_dma semaphore(%arg8 : memref<!tpu.dma_semaphore, #tpu.memory_space<semaphore_mem>>) src(%arg5 : memref<16384xf32, #tpu.memory_space<vmem>>) dst(%dma_wait3A_59 : memref<1049600xf32, #tpu.memory_space<vmem_shared>>)
    %barrier3A_60 = arith.constant 0 : index
    tpu.barrier barrier_id(%barrier3A_60)
    "tpu.trace_stop"() : () -> ()
    "tpu.trace_start"() <{level = 10 : i32, message = "writeback"}> : () -> ()
    %mul3A_61 = arith.constant 65536 : i32
    %mul3A_62 = arith.muli %arg1, %mul3A_61 : i32
    %mul3A_63 = arith.constant 65536 : i32
    %mul3A_64 = arith.muli %arg1, %mul3A_63 : i32
    %add3A_65 = arith.addi %mul3A_0, %mul3A_64 : i32
    "tpu.region"() ({
      %run_scoped3A = tpu.sem_alloc : memref<!tpu.dma_semaphore, #tpu.memory_space<semaphore_mem>>
      %dma_start3A_66 = tpu.memref_slice %arg3[%add3A_65] : memref<2097152xf32, #tpu.memory_space<hbm>> -> memref<65536xf32, #tpu.memory_space<hbm>>
      %dma_start3A_67 = tpu.memref_slice %arg7[%mul3A_62] : memref<1049600xf32, #tpu.memory_space<vmem_shared>> -> memref<65536xf32, #tpu.memory_space<vmem_shared>>
      tpu.enqueue_dma source(%dma_start3A_67 : memref<65536xf32, #tpu.memory_space<vmem_shared>>) target(%dma_start3A_66 : memref<65536xf32, #tpu.memory_space<hbm>>) target_semaphore(%run_scoped3A : memref<!tpu.dma_semaphore, #tpu.memory_space<semaphore_mem>>)
      %dma_wait3A_68 = tpu.memref_slice %arg3[%add3A_65] : memref<2097152xf32, #tpu.memory_space<hbm>> -> memref<65536xf32, #tpu.memory_space<hbm>>
      %dma_wait3A_69 = tpu.memref_slice %arg7[%mul3A_62] : memref<1049600xf32, #tpu.memory_space<vmem_shared>> -> memref<65536xf32, #tpu.memory_space<vmem_shared>>
      tpu.wait_dma2 semaphore(%run_scoped3A : memref<!tpu.dma_semaphore, #tpu.memory_space<semaphore_mem>>) src(%dma_wait3A_69 : memref<65536xf32, #tpu.memory_space<vmem_shared>>) dst(%dma_wait3A_68 : memref<65536xf32, #tpu.memory_space<hbm>>)
      tpu.yield
    }) : () -> ()
    "tpu.trace_stop"() : () -> ()
    return
  }
}

</mosaic_0001>

<sc_bundles>
// kernel: kernel.3.cloned.1.call-start
scs
__scs_entry_jumppad:
0x0: {  	(pc) =	sbr.rel $0x88, $3  }
0x1: {  	(tag) =	ssettag $0x0;
	lr =	simm.s32 $0x1  }
0x2: {  	[smem:$0x3FA0] =	sst lr;
	_ =	strace $0xD0000000  }
0x3: {  	_ = 	snop  }
0x4: {  	_ = 	snop  }
0x5: {  	_ = 	snop  }
0x6: {  	_ = 	snop  }
0x7: {  	_ = 	snop  }
__scs_overlays_trampoline_lowered:
0x8: {  	[smem:$0x3FAF] =	sst s0  }
0x9: {  	[smem:$0x3FB0] =	sst s1  }
0xa: {  	[smem:$0x3FB1] =	sst s2  }
0xb: {  	[smem:$0x3FB2] =	sst s3  }
0xc: {  	[smem:$0x3FB3] =	sst s4  }
0xd: {  	[smem:$0x3FB4] =	sst s5  }
0xe: {  	[smem:$0x3FB5] =	sst s6  }
0xf: {  	[smem:$0x3FB6] =	sst s7  }
0x10: {  	[smem:$0x3FB7] =	sst s8  }
0x11: {  	[smem:$0x3FB8] =	sst s9;
	s0 =	simm.s32 @!p0 $0x0  }
0x12: {  	s1 =	sld [smem:$0x3F9E];
	s0 =	simm.s32 @p0 $0x1  }
0x13: {  	[smem:$0x3FB9] =	sst s0;
	s0 =	simm.s32 @!p1 $0x0  }
0x14: {  	s2 =	sld [smem:$0x3F9D];
	s0 =	simm.s32 @p1 $0x1  }
0x15: {  	[smem:$0x3FBA] =	sst s0;
	s0 =	simm.s32 @!p2 $0x0  }
0x16: {  	s3 =	sld [smem:$0x3FDB];
	s0 =	simm.s32 @p2 $0x1  }
0x17: {  	s4 =	simm.s32 $0x1BF5;
	[smem:$0x3FBC] =	sst s0  }
0x18: {  	s0 =	sld [smem:$0x3F9F];
	_ =	swait.ge [sflag:s4], $0x0  }
0x19: {  	s7 =	sld [smem:$0x3FA0]  }
0x1a: {  	s8 =	sadd.s32 $0xFFFFE003, lr  }
0x1b: {  	s9 =	sadd.s32 $0xFFFFFEF7, lr;
	s5 =	simm.s32 $0xFFFFFFFF;
	p2 =	slt.u32 s8, $0xFFFFF086  }
0x1c: {  	p1 =	slt.u32 s9, $0xF7A;
	s5 =	simm.s32 @!p2 $0x0  }
0x1d: {  	s5 =	simm.s32 @p1 $0x1;
	p0 =	seq.s32 s7, s2  }
0x1e: {  	s7 =	smul.u32 @!p0 $0xF7A, s2;
	p2 =	seq.s32 @!p0 s5, $0x0  }
0x1f: {  	s9 =	smul.u32 $0xF7A, s1;
	s8 =	simm.s32 @!p0 $0x1BF5;
	p2 =	por !p2, p0  }
0x20: {  	[sflag:s8] =	ssyncset.s32 @!p0 $0xFFFFF086;
	s6 =	sadd.s32 @!p0 s3, s7;
	s7 =	simm.s32 @!p0 $0x108  }
0x21: {  	s3 =	sadd.s32 s3, s9;
	s6 =	sadd.s32 @!p0 $0x88, s6;
	s7 =	simm.s32 @p2 $0x1082  }
0x22: {  	[simem:s7], [sflag:s8] =	dma.local @!p0 [hbm:s6], $0xF7A  }
0x23: {  	s9 =	sor.u32 $0xD0000000, s2;
	s6 =	simm.s32 $0x108;
	_ =	swait.ge @!p0 [sflag:s8], $0x0  }
0x24: {  	s3 =	sadd.s32 $0x88, s3;
	s6 =	simm.s32 @!p1 $0x1082;
	[sflag:s4] =	ssyncset.s32 $0xFFFFF086  }
0x25: {  	[simem:s6], [sflag:s4] =	dma.local [hbm:s3], $0xF7A  }
0x26: {  	[smem:$0x3FA0] =	sst s1;
	(tag) =	ssettag s2;
	_ =	strace s9  }
0x27: {  	s1 =	sld [smem:$0x3FB0]  }
0x28: {  	s2 =	sld [smem:$0x3FB1]  }
0x29: {  	s4 =	sld [smem:$0x3FB3]  }
0x2a: {  	p0 =	seq.s32 s5, $0x0;
	s5 =	sld [smem:$0x3FB4]  }
0x2b: {  	s6 =	sld [smem:$0x3FB5]  }
0x2c: {  	s7 =	sld [smem:$0x3FB6]  }
0x2d: {  	s3 =	simm.s32 $0x108;
	s8 =	sld [smem:$0x3FB7]  }
0x2e: {  	s3 =	simm.s32 @!p0 $0x1082;
	s9 =	sld [smem:$0x3FB8]  }
0x2f: {  	lr =	sadd.s32 s0, s3;
	s0 =	sld [smem:$0x3FAF]  }
0x30: {  	s3 =	sld [smem:$0x3FB2]  }
0x31: {  	[smem:$0x3FBB] =	sst s10  }
0x32: {  	s10 =	sld [smem:$0x3FB9];
	_ =	sdelay $0x3  }
0x33: {  	p0 =	seq.s32 s10, $0x1;
	s10 =	sld [smem:$0x3FBB];
	_ =	sdelay $0x3  }
0x34: {  	[smem:$0x3FBB] =	sst s10  }
0x35: {  	s10 =	sld [smem:$0x3FBA];
	_ =	sdelay $0x3  }
0x36: {  	p1 =	seq.s32 s10, $0x1;
	s10 =	sld [smem:$0x3FBB];
	_ =	sdelay $0x3  }
0x37: {  	[smem:$0x3FBB] =	sst s10  }
0x38: {  	s10 =	sld [smem:$0x3FBC]  }
0x39: {  	_ = 	snop;
	(pc) =	sbr.ind lr, $3  }
0x3a: {  	_ = 	snop  }
0x3b: {  	_ = 	snop  }
0x3c: {  	p2 =	seq.s32 s10, $0x1;
	s10 =	sld [smem:$0x3FBB]  }
0x3d: {  	_ =	shalt  }
0x3e: {  	_ =	shalt  }
0x3f: {  	_ =	shalt  }
0x40: {  	_ =	shalt  }
0x41: {  	_ =	shalt  }
0x42: {  	_ =	shalt  }
0x43: {  	_ =	shalt  }
0x44: {  	_ =	shalt  }
0x45: {  	_ =	shalt  }
0x46: {  	_ =	shalt  }
0x47: {  	_ =	shalt  }
0x48: {  	_ =	shalt  }
0x49: {  	_ =	shalt  }
0x4a: {  	_ =	shalt  }
0x4b: {  	_ =	shalt  }
0x4c: {  	_ =	shalt  }
0x4d: {  	_ =	shalt  }
0x4e: {  	_ =	shalt  }
0x4f: {  	_ =	shalt  }
0x50: {  	_ =	shalt  }
0x51: {  	_ =	shalt  }
0x52: {  	_ =	shalt  }
0x53: {  	_ =	shalt  }
0x54: {  	_ =	shalt  }
0x55: {  	_ =	shalt  }
0x56: {  	_ =	shalt  }
0x57: {  	_ =	shalt  }
0x58: {  	_ =	shalt  }
0x59: {  	_ =	shalt  }
0x5a: {  	_ =	shalt  }
0x5b: {  	_ =	shalt  }
0x5c: {  	_ =	shalt  }
0x5d: {  	_ =	shalt  }
0x5e: {  	_ =	shalt  }
0x5f: {  	_ =	shalt  }
0x60: {  	_ =	shalt  }
0x61: {  	_ =	shalt  }
0x62: {  	_ =	shalt  }
0x63: {  	_ =	shalt  }
0x64: {  	_ =	shalt  }
0x65: {  	_ =	shalt  }
0x66: {  	_ =	shalt  }
0x67: {  	_ =	shalt  }
0x68: {  	_ =	shalt  }
0x69: {  	_ =	shalt  }
0x6a: {  	_ =	shalt  }
0x6b: {  	_ =	shalt  }
0x6c: {  	_ =	shalt  }
0x6d: {  	_ =	shalt  }
0x6e: {  	_ =	shalt  }
0x6f: {  	_ =	shalt  }
0x70: {  	_ =	shalt  }
0x71: {  	_ =	shalt  }
0x72: {  	_ =	shalt  }
0x73: {  	_ =	shalt  }
0x74: {  	_ =	shalt  }
0x75: {  	_ =	shalt  }
0x76: {  	_ =	shalt  }
0x77: {  	_ =	shalt  }
0x78: {  	_ =	shalt  }
0x79: {  	_ =	shalt  }
0x7a: {  	_ =	shalt  }
0x7b: {  	_ =	shalt  }
0x7c: {  	_ =	shalt  }
0x7d: {  	_ =	shalt  }
0x7e: {  	_ =	shalt  }
0x7f: {  	_ =	shalt  }
0x80: {  	_ =	shalt  }
0x81: {  	_ =	shalt  }
0x82: {  	_ =	shalt  }
0x83: {  	_ =	shalt  }
0x84: {  	_ =	shalt  }
0x85: {  	_ =	shalt  }
0x86: {  	_ =	shalt  }
0x87: {  	_ =	shalt  }
.Lfunc_end0:
.L_simem_size_0:
called_computation_lowered:
.L_overlay_start_0:
0x88: {  	s2 =	sld [smem:$0x3FD9]  }
0x89: {  	s3 =	sld [smem:$0x3FFE];
	_ =	sdelay $0x1  }
0x8a: {  	s1 =	srdreg.scid  }
0x8b: {  	s0 =	sand.u32 $0x1, s1  }
0x8c: {  	s18 =	sshll.u32 s0, $0xA;
	s2 =	sadd.s32 s3, s2  }
0x8d: {  	s2 =	sadd.s32 s2, s18  }
0x8e: {  	[smem:$0x3FC7] =	sst s2  }
0x8f: {  	_ = 	snop  }
0x90: {  	s2 =	sld [smem:$0x3FC9]  }
0x91: {  	s19 =	sld [smem:$0x3FD0];
	(tm) =	ssettm $0x1  }
0x92: {  	s4 =	sld [smem:$0x3FFB];
	_ =	sdelay $0x3  }
0x93: {  	_ =	strace s4  }
0x94: {  	s4 =	sld [smem:$0x3FFC];
	_ =	sdelay $0x3  }
0x95: {  	_ =	strace s4  }
0x96: {  	s4 =	sld [smem:$0x3FFD];
	_ =	sdelay $0x3  }
0x97: {  	_ =	strace s4  }
0x98: {  	_ =	strace $0x8FFFFFFF  }
0x99: {  	s20 =	sld [smem:$0x3FDB];
	_ =	sdelay $0x1  }
0x9a: {  	s5 =	simm.s32 $_scs_section_size  }
0x9b: {  	s6 =	simm.s32 $_size__tile_overlayer_lowered;
	s7 =	simm.s32 $_tile_overlayer_lowered  }
0x9c: {  	s23 =	simm.s32 $0x1BFF;
	s22 =	sshll.u32 s7, $0x1;
	s4 =	sadd.s32 s5, s20  }
0x9d: {  	s8 =	simm.s32 $0x0;
	s21 =	sshll.u32 s6, $0x1;
	s6 =	sadd.s32 s22, s4  }
0x9e: {  	[timem:s8], [sflag:s23] =	dma.local [hbm:s6], s21  }
0x9f: {  	_ =	swait.ge [sflag:s23], s21  }
0xa0: {  	s5 =	ssub.s32 $0x0, s21;
	[sflag:s23] =	ssyncset.done $0x0  }
0xa1: {  	[sflag:s23] =	ssyncadd.s32 s5;
	_ =	sdelay $0x1  }
0xa2: {  	s24 =	simm.s32 $0x1B8B  }
0xa3: {  	_ =	swait.ge [sflag:s24], $0x1  }
0xa4: {  	[sflag:s24] =	ssyncset.done $0x0  }
0xa5: {  	s25 =	simm.s32 $0x1B8E;
	[sflag:s24] =	ssyncadd.s32 $0xFFFFFFFF  }
0xa6: {  	s26 =	simm.s32 $execute0_lowered;
	[smem:$0x3FD2] =	sst s25  }
0xa7: {  	s5 =	sshll.u32 s26, $0x1;
	_ =	strace $0x80000046;
	[dreg:$0x1] =	wrdreg $0xFFFFFFFF  }
0xa8: {  	s28 =	simm.s32 $_size_execute0_lowered;
	s4 =	sadd.s32 s4, s5;
	[dreg:$0x0] =	wrdreg $0x0  }
0xa9: {  	s5 =	sshll.u32 s28, $0x1;
	[dreg:$0x2] =	wrdreg s4  }
0xaa: {  	[dreg:$0x3] =	wrdreg s5  }
0xab: {  	[dreg:$0x4] =	wrdreg $0xC0  }
0xac: {  	_ =	task [dreg:s8], $0x5FFFF  }
0xad: {  	[dreg:$0x1] =	wrdreg $0xFFFFFFFF  }
0xae: {  	[dreg:$0x0] =	wrdreg $0x60  }
0xaf: {  	[dreg:$0x2] =	wrdreg s2  }
0xb0: {  	[dreg:$0x3] =	wrdreg s19  }
0xb1: {  	[dreg:$0x4] =	wrdreg $0xC0000  }
0xb2: {  	[dreg:$0x5] =	wrdreg $0x9  }
0xb3: {  	_ =	task.clear_ibuf [dreg:s8], $0x6FFFF;
	_ =	strace $0x90000046  }
0xb4: {  	s29 =	simm.s32 $0x9;
	_ =	strace $0x8000004C  }
0xb5: {  	_ =	swait.ge [sflag:s29], $0x1  }
0xb6: {  	[sflag:s29] =	ssyncadd.s32 $0xFFFFFFFF  }
0xb7: {  	_ =	strace $0x9000004C  }
0xb8: {  	_ =	sfence  }
0xb9: {  	s30 =	sld [smem:$0x0];
	_ =	sdelay $0x2  }
0xba: {  	s31 =	sshll.u32 s1, $0xD;
	s1 =	sshrl.u32 s1, $0x2  }
0xbb: {  	s3 =	sand.u32 $0x4000, s31;
	s1 =	sadd.s32 s1, s30  }
0xbc: {  	s0 =	sor.u32 s3, s0;
	s1 =	sshll.u32 s1, $0x11  }
0xbd: {  	s0 =	sor.u32 s1, s0  }
0xbe: {  	s0 =	sadd.s32 $0x8F2B, s0  }
0xbf: {  	[sflag:s0] =	ssyncadd.remote.s32 $0x1  }
0xc0: {  	_ =	sfence.sel $0xFFFF  }
0xc1: {  	[dreg:$0x0] =	wrdreg $0xFFFFFFFF;
	(pc) =	sbr.abs _section_cstart, $3  }
0xc2: {  	[dreg:$0x1] =	wrdreg $0xFFFFFFFF  }
0xc3: {  	_ =	task.clear_ibuf [dreg:s8], $0x2FFFF;
	_ =	strace $0x9FFFFFFF  }
0xc4: {  	(tm) =	ssettm $0x7FFFFFFF  }
0xc5: {  	_ =	shalt  }
tec
execute0_lowered:
.L_overlay_start_1:
0x0: {  	(tag) =	ssettag $0x1  }
0x1: {  	s4 =	rddreg [dreg:$0x0]  }
0x2: {  	s9 =	rddreg [dreg:$0x1]  }
0x3: {  	s0 =	srdreg.scid;
	s1 =	rddreg [dreg:$0x2]  }
0x4: {  	s2 =	simm.s32 $0x0;
	s3 =	stileid.u32;
	s12 =	simm.s32 $0x1  }
0x5: {  	s13 =	simm.s32 $0x2;
	s5 =	sand.u32 $0x1, s0;
	s0 =	rddreg [dreg:$0x3]  }
0x6: {  	s15 =	simm.s32 $0x3;
	s16 =	simm.s32 $0x0;
	[smem:$0x7FF] =	sst s2  }
0x7: {  	s30 =	sshll.u32 s3, $0xB;
	s31 =	sshll.u32 s3, $0x10;
	s6 =	ssub.s32 $0x2, s5  }
0x8: {  	_ =	strace $0x80000047;
	s14 =	sshll.u32 s5, $0x14;
	s4 =	sadd.s32 s4, s30  }
0x9: {  	s5 =	sadd.s32 s31, s1;
	s7 =	sshrl.u32 s6, $0x1;
	s8 =	sor.u32 s31, s14  }
0xa: {  	v1 =	vmov s14;
	s14 =	simm.s32 $0x4000;
	s10 =	ssub.s32 s6, s7;
	s6 =	sadd.s32 $0x4000, s5  }
0xb: {  	v0 =	vimm.f32 $1.000000010e-07;
	v3 =	vlaneseq.u32;
	s7 =	sadd.s32 $0x8000, s5;
	s11 =	sshrl.u32 s8, $0x3;
	s8 =	sadd.s32 $0xC000, s5  }
0xc: {  	v2 =	vimm.f32 $1.000000120e+00;
	v3 =	vor.u32 $0x100000, v3;
	s9 =	sadd.s32 s9, s11;
	s10 =	smax.u32 s10, $0x1;
	s11 =	simm.s32 $0x8000  }
.LBB2_1:
0xd: {  	[tilespmem:s2], [sflag:$0x1] =	stream.linear.gather [hbm4b:s4+s2], $0x4000, $0x38;
	[tilespmem:$0x1C040] =	vst v63  }
0xe: {  	s18 =	simm.s32 $0x8040  }
0xf: {  	[tilespmem:s18+$0xFFFFFFC0] =	vst v0  }
0x10: {  	[tilespmem:s18+$0x30] =	vst v0  }
0x11: {  	[tilespmem:s18+$0x20] =	vst v0  }
0x12: {  	[tilespmem:s18+$0x10] =	vst v0  }
0x13: {  	[tilespmem:s18+$0x0] =	vst v0  }
0x14: {  	[tilespmem:s18+$0xFFFFFFF0] =	vst v0  }
0x15: {  	s19 =	simm.s32 $0x0;
	[tilespmem:s18+$0xFFFFFFE0] =	vst v0  }
.LBB2_2:
0x16: {  	s19 =	sadd.s32 $0x8, s19;
	[tilespmem:s18+$0xFFFFFFD0] =	vst v0;
	s18 =	sadd.s32 $0x80, s18;
	s17 =	simm.s32 $0x4040  }
0x17: {  	[tilespmem:s18+$0xFFFFFFC0] =	vst v0;
	p0 =	slt.u32 s19, $0x3F8  }
0x18: {  	[tilespmem:s18+$0x30] =	vst v0  }
.Ltmp0:
0x19: {  	[tilespmem:s18+$0x20] =	vst v0;
	(pc) =	sbr.rel @p0 .LBB2_2-.Ltmp0, $4  }
0x1a: {  	[tilespmem:s18+$0x10] =	vst v0  }
0x1b: {  	[tilespmem:s18+$0x0] =	vst v0  }
0x1c: {  	[tilespmem:s18+$0xFFFFFFF0] =	vst v0  }
0x1d: {  	[tilespmem:s18+$0xFFFFFFE0] =	vst v0  }
0x1e: {  	[tilespmem:s18+$0xFFFFFFD0] =	vst v0  }
0x1f: {  	[tilespmem:s17+$0xFFFFFFC0] =	vst v2  }
0x20: {  	[tilespmem:s17+$0x30] =	vst v2  }
0x21: {  	[tilespmem:s17+$0x20] =	vst v2  }
0x22: {  	[tilespmem:s17+$0x10] =	vst v2  }
0x23: {  	[tilespmem:s17+$0x0] =	vst v2  }
0x24: {  	[tilespmem:s17+$0xFFFFFFF0] =	vst v2  }
0x25: {  	s18 =	simm.s32 $0x0;
	[tilespmem:s17+$0xFFFFFFE0] =	vst v2  }
.LBB2_4:
0x26: {  	s18 =	sadd.s32 $0x8, s18;
	[tilespmem:s17+$0xFFFFFFD0] =	vst v2;
	s17 =	sadd.s32 $0x80, s17  }
0x27: {  	[tilespmem:s17+$0xFFFFFFC0] =	vst v2;
	p0 =	slt.u32 s18, $0x3F8  }
0x28: {  	[tilespmem:s17+$0x30] =	vst v2  }
.Ltmp1:
0x29: {  	[tilespmem:s17+$0x20] =	vst v2;
	(pc) =	sbr.rel @p0 .LBB2_4-.Ltmp1, $4  }
0x2a: {  	[tilespmem:s17+$0x10] =	vst v2  }
0x2b: {  	[tilespmem:s17+$0x0] =	vst v2  }
0x2c: {  	[tilespmem:s17+$0xFFFFFFF0] =	vst v2  }
0x2d: {  	[tilespmem:s17+$0xFFFFFFE0] =	vst v2  }
0x2e: {  	[tilespmem:s17+$0xFFFFFFD0] =	vst v2  }
0x2f: {  	[spmem:s5] =	stream.linear.scatter [tilespmem:s11], [sflag:$0x2], $0x4000, $0x38;
	[tilespmem:$0x1C040] =	vst v63  }
0x30: {  	_ = 	snop  }
0x31: {  	[spmem:s6] =	stream.linear.scatter [tilespmem:s11], [sflag:$0x2], $0x4000, $0x38;
	[tilespmem:$0x1C040] =	vst v63  }
0x32: {  	_ = 	snop  }
0x33: {  	[spmem:s7] =	stream.linear.scatter [tilespmem:s11], [sflag:$0x2], $0x4000, $0x38;
	[tilespmem:$0x1C040] =	vst v63  }
0x34: {  	_ = 	snop  }
0x35: {  	[spmem:s8] =	stream.linear.scatter [tilespmem:s11], [sflag:$0x2], $0x4000, $0x38;
	[tilespmem:$0x1C040] =	vst v63  }
0x36: {  	_ =	swait.ge [sflag:s12], $0x4000  }
0x37: {  	[sflag:s12] =	ssyncset.done $0x0  }
0x38: {  	[sflag:s12] =	ssyncadd.s32 $0xFFFFC000  }
0x39: {  	s17 =	simm.s32 $0x20;
	_ =	strace $0x80000048  }
0x3a: {  	v7 =	vld [tilespmem:s17+$0xFFFFFFF0];
	_ =	sdelay $0x1  }
0x3b: {  	s18 =	simm.s32 $0x20;
	v6 =	vld [tilespmem:s17+$0x0]  }
0x3c: {  	s21 =	simm.s32 $0x0;
	s22 =	sand.u32 $0x3E0, s18;
	v5 =	vld [tilespmem:s17+$0xFFFFFFE0]  }
0x3d: {  	s19 =	simm.s32 $0x30;
	s20 =	simm.s32 $0x0;
	s21 =	sand.u32 $0x3C0, s21;
	v9 =	vor.u32 s22, v3  }
0x3e: {  	s18 =	sand.u32 $0x3F0, s19;
	v8 =	vor.u32 s21, v3;
	s22 =	simm.s32 $0x10;
	s21 =	simm.s32 $0x60;
	v4 =	vsub.s32 v7, v1;
	vm0 =	vge.s32 v7, v1;
	v7 =	vld [tilespmem:s17+$0x10]  }
.LBB2_6:
0x3f: {  	s20 =	sadd.s32 $0x4, s20;
	vm1 =	vlt.s32 v4, $0x100000;
	s22 =	sand.u32 $0x3D0, s22;
	v10 =	vor.u32 s18, v3;
	s19 =	sadd.s32 $0x40, s19  }
0x40: {  	s18 =	sand.u32 $0x3F0, s19;
	p0 =	slt.u32 s20, $0x3FC;
	vm0 =	vmand vm0, vm1;
	v11 =	vsub.s32 v6, v1;
	vm1 =	vge.s32 v6, v1  }
0x41: {  	v13 =	vor.u32 s22, v3;
	v12 =	vld [tilespmem:s21+$0xFFFFFFF0];
	v6 =	vsub.s32 v5, v1;
	vm2 =	vlt.s32 v11, $0x100000  }
0x42: {  	vm3 =	vge.s32 v5, v1;
	vm4 =	vlt.s32 v6, $0x100000;
	vm1 =	vmand vm1, vm2  }
0x43: {  	vm2 =	vmand vm3, vm4;
	v5 =	vsel vm1, v11, v9;
	v9 =	vsub.s32 v7, v1  }
.Ltmp2:
0x44: {  	s22 =	sadd.s32 $0xFFFFFFF0, s19;
	vm1 =	vge.s32 v7, v1;
	v8 =	vsel vm2, v6, v8;
	[tilespmem:s17+$0x0] =	vst v5;
	vm2 =	vlt.s32 v9, $0x100000;
	(pc) =	sbr.rel @p0 .LBB2_6-.Ltmp2, $4  }
0x45: {  	s23 =	sadd.s32 $0xFFFFFFD0, s19;
	s22 =	sand.u32 $0x3E0, s22;
	v7 =	vsel vm0, v4, v13;
	v6 =	vld [tilespmem:s21+$0x0];
	[tilespmem:s17+$0xFFFFFFE0] =	vst v8;
	vm1 =	vmand vm1, vm2  }
0x46: {  	s23 =	sand.u32 $0x3C0, s23;
	v5 =	vld [tilespmem:s21+$0xFFFFFFE0];
	v4 =	vsub.s32 v12, v1;
	vm0 =	vge.s32 v12, v1;
	[tilespmem:s17+$0xFFFFFFF0] =	vst v7;
	v7 =	vsel vm1, v9, v10  }
0x47: {  	v9 =	vor.u32 s22, v3;
	[tilespmem:s17+$0x10] =	vst v7;
	s17 =	smov.u32 s21  }
0x48: {  	v8 =	vor.u32 s23, v3;
	s22 =	sadd.s32 $0xFFFFFFE0, s19;
	s21 =	sadd.s32 $0x40, s21;
	v7 =	vld [tilespmem:s17+$0x10]  }
0x49: {  	vm1 =	vlt.s32 v4, $0x100000  }
0x4a: {  	s19 =	sand.u32 $0x3D0, s22;
	vm0 =	vmand vm0, vm1;
	v10 =	vsub.s32 v6, v1;
	vm11 =	vge.s32 v6, v1  }
0x4b: {  	v11 =	vor.u32 s19, v3;
	v62 =	vsub.s32 v5, v1;
	vm2 =	vlt.s32 v10, $0x100000  }
0x4c: {  	vm3 =	vge.s32 v5, v1;
	v4 =	vsel vm0, v4, v11;
	vm4 =	vlt.s32 v62, $0x100000  }
0x4d: {  	vm1 =	vmand vm11, vm2;
	vm12 =	vmand vm3, vm4;
	v63 =	vsub.s32 v7, v1  }
0x4e: {  	[tilespmem:s17+$0xFFFFFFF0] =	vst v4;
	v5 =	vsel vm1, v10, v9;
	vm13 =	vge.s32 v7, v1;
	vm14 =	vlt.s32 v63, $0x100000  }
0x4f: {  	v6 =	vsel vm12, v62, v8;
	[tilespmem:s17+$0x0] =	vst v5;
	v5 =	vor.u32 s18, v3;
	vm15 =	vmand vm13, vm14  }
0x50: {  	[tilespmem:s17+$0xFFFFFFE0] =	vst v6;
	v4 =	vsel vm15, v63, v5  }
0x51: {  	[tilespmem:s17+$0x10] =	vst v4  }
0x52: {  	_ =	strace $0x90000048  }
0x53: {  	_ =	strace $0x80000049  }
0x54: {  	_ =	swait.ge [sflag:s13], $0x4000  }
0x55: {  	[sflag:s13] =	ssyncset.done $0x0  }
0x56: {  	[sflag:s13] =	ssyncadd.s32 $0xFFFFC000  }
0x57: {  	_ =	swait.ge [sflag:s13], $0x4000  }
0x58: {  	[sflag:s13] =	ssyncset.done $0x0  }
0x59: {  	[sflag:s13] =	ssyncadd.s32 $0xFFFFC000  }
0x5a: {  	_ =	swait.ge [sflag:s13], $0x4000  }
0x5b: {  	[sflag:s13] =	ssyncset.done $0x0  }
0x5c: {  	[sflag:s13] =	ssyncadd.s32 $0xFFFFC000  }
0x5d: {  	_ =	swait.ge [sflag:s13], $0x4000  }
0x5e: {  	[sflag:s13] =	ssyncset.done $0x0  }
0x5f: {  	[sflag:s13] =	ssyncadd.s32 $0xFFFFC000  }
0x60: {  	[bflag:$0x0] =	sbarrier.arrive $0xFFFF  }
0x61: {  	_ =	strace $0x90000049  }
0x62: {  	_ =	strace $0x8000004A  }
0x63: {  	[spmem:s1] =	stream.indirect.scatter [tilespmem:s14], [sflag:$0x1], $0x1, s2, s14, $0x2000b8;
	[tilespmem:$0x1C040] =	vst v63  }
0x64: {  	_ =	swait.ge [sflag:s12], $0x4000  }
0x65: {  	[sflag:s12] =	ssyncset.done $0x0  }
0x66: {  	[sflag:s12] =	ssyncadd.s32 $0xFFFFC000  }
0x67: {  	s30 =	sshll.u32 s3, $0x6;
	[bflag:$0x0] =	sbarrier.arrive $0xFFFF  }
0x68: {  	s31 =	sshrl.u32 s5, $0x3;
	s16 =	sadd.s32 $0x1, s16;
	_ =	strace $0x9000004A  }
0x69: {  	p0 =	sne.s32 s16, s10;
	s17 =	sor.u32 $0x1C03, s30;
	_ =	strace $0x8000004B  }
0x6a: {  	[hbm:s9], [sflag:s17] =	dma.local [spmem:s31], $0x2000  }
.Ltmp3:
0x6b: {  	_ = 	snop;
	(pc) =	sbr.rel @p0 .LBB2_1-.Ltmp3, $4  }
0x6c: {  	_ =	swait.ge [sflag:s15], $0x2000  }
0x6d: {  	[sflag:s15] =	ssyncset.done $0x0  }
0x6e: {  	[sflag:s15] =	ssyncadd.s32 $0xFFFFE000  }
0x6f: {  	_ =	strace $0x9000004B  }
0x70: {  	_ =	sfence.sel $0x180000  }
0x71: {  	[bflag:$0x0] =	sbarrier.arrive $0xFFFF  }
0x72: {  	p0 =	sne.s32 s3, $0x0;
	_ =	strace $0x90000047  }
0x73: {  	s0 =	sadd.s32 @!p0 $0x100000, s0;
	[bflag:$0x2] =	sbarrier.arrive $0xFFFF  }
0x74: {  	[sflag:s0] =	ssyncadd.tile.s32 @!p0 $0x1;
	_ =	shalt  }
.Lfunc_end2:
_tile_overlayer_lowered:
.L_overlay_start_2:
0x75: {  	(tag) =	ssettag $0x2  }
0x76: {  	s0 =	rddreg [dreg:$0x0];
	s2 =	stileid.u32  }
0x77: {  	s1 =	rddreg [dreg:$0x1];
	p0 =	sne.s32 s2, $0x0  }
0x78: {  	s3 =	rddreg [dreg:$0x2];
	[bflag:$0x3] =	sbarrier.arrive $0xFFFF;
	s2 =	simm.s32 @!p0 $0x1C03  }
0x79: {  	[timem:s3], [sflag:s2] =	dma.local @!p0 [hbm:s0], s1  }
0x7a: {  	s0 =	simm.s32 @!p0 $0x3  }
0x7b: {  	_ =	swait.ge @!p0 [sflag:s0], s1  }
0x7c: {  	s1 =	ssub.s32 @!p0 $0x0, s1;
	[sflag:s0] =	ssyncset.done @!p0 $0x0  }
0x7d: {  	[sflag:s0] =	ssyncadd.s32 @!p0 s1  }
0x7e: {  	[bflag:$0x3] =	sbarrier.arrive $0xFFFF  }
0x7f: {  	_ =	shalt  }

</sc_bundles>
